<compile_context>
chip_gen: v7x
topology: tpu7x:2x2x1
jax: 0.10.2.dev20260603
libtpu: 0.0.44.dev20260713+nightly
codegen_flags: <defaults>
</compile_context>

<pallas_src>
import jax
import jax.numpy as jnp
from jax import lax
from jax.experimental import pallas as pl
from jax.experimental.pallas import tpu as pltpu

V = 1000
DEPTH = 4
B = 16
T = 512
BT = B * T
POS = 256
NT = BT // POS


def _onehot_gather_kernel(tbl_ref, tok_ref, root_ref, out_ref):
    out_ref[:, 0, :] = jnp.broadcast_to(root_ref[...], (POS, V))
    iota = lax.broadcasted_iota(jnp.int32, (POS, V), 1)
    for d in range(1, DEPTH):
        tok = tok_ref[d, 0, :]
        oh = (iota == tok[:, None]).astype(jnp.float32)
        out_ref[:, d, :] = jnp.dot(oh, tbl_ref[d - 1],
                                   preferred_element_type=jnp.float32)


@jax.jit
def kernel(idx, root_counts, tree_counts):
    t_pos = jnp.arange(T)
    toks_d = [jnp.zeros((B, T), jnp.int32)]
    for d in range(1, DEPTH):
        shifted = jnp.roll(idx, d, axis=1)
        toks_d.append(jnp.where(t_pos >= d, shifted, -1))
    toks = jnp.stack(toks_d, axis=0).reshape(DEPTH, 1, BT)

    out = pl.pallas_call(
        _onehot_gather_kernel,
        grid=(NT,),
        in_specs=[
            pl.BlockSpec((DEPTH - 1, V, V), lambda i: (0, 0, 0)),
            pl.BlockSpec((DEPTH, 1, POS), lambda i: (0, 0, i)),
            pl.BlockSpec((1, V), lambda i: (0, 0)),
        ],
        out_specs=pl.BlockSpec((POS, DEPTH, V), lambda i: (i, 0, 0)),
        out_shape=jax.ShapeDtypeStruct((BT, DEPTH, V), jnp.float32),
    )(tree_counts, toks, root_counts.reshape(1, V))
    return out.reshape(B, T, DEPTH, V)

# --- scband reference (transcript-rebuilt; emitter-appended) ---
"""Pipeline reference for scband-token-tree-model-44933947851360 (READ-ONLY COPY).

The authoritative reference and input builder live on the scoring server;
editing this copy changes nothing except your own understanding.
"""

import jax, jax.numpy as jnp
import numpy as np

VOCAB = 1000
DEPTH = 4
B = 16
T = 512


def setup_inputs(seed: int = 0) -> dict:
    key = jax.random.key(seed)
    k1, k2, k3 = jax.random.split(key, 3)
    idx = jax.random.randint(k1, (B, T), 0, VOCAB, dtype=jnp.int32)
    # Tree materialized as dense count tables (file-backed TokenTree in the original):
    # root_counts[v]        = count of child v of the tree root (empty context, tree_idx=0)
    # tree_counts[d-1,c,v]  = count of child v of the depth-d context starting with token c
    root_counts = jax.random.uniform(k2, (VOCAB,), dtype=jnp.float32) * 100.0
    tree_counts = jax.random.uniform(k3, (DEPTH - 1, VOCAB, VOCAB), dtype=jnp.float32) * 100.0
    return {"idx": idx, "root_counts": root_counts, "tree_counts": tree_counts}


def reference(idx, root_counts, tree_counts):
    # Faithful translation of TokenTreeModel.create_ml_input:
    # ml_input[b, t, d, token] = count of `token` among children of the node reached by
    # the context sequence idx[b, t-d:t], zero when start_idx = t-d < 0.
    b, t = idx.shape
    depth = tree_counts.shape[0] + 1
    vocab = root_counts.shape[0]
    t_pos = jnp.arange(t)
    # tree_idx = 0: empty context -> root children counts, always valid (start_idx = t >= 0)
    outs = [jnp.broadcast_to(root_counts, (b, t, 1, vocab))]
    for d in range(1, depth):
        # context of length d ending at position t starts with token idx[:, t-d]
        shifted = jnp.roll(idx, d, axis=1)  # shifted[:, t] = idx[:, t-d] (wrap masked below)
        counts = jnp.take(tree_counts[d - 1], shifted, axis=0)  # gather: [B, T, VOCAB]
        valid = (t_pos >= d)[None, :, None]
        counts = jnp.where(valid, counts, 0.0)
        outs.append(counts[:, :, None, :])
    ml_input = jnp.concatenate(outs, axis=2)  # [B, T, DEPTH, VOCAB]
    return ml_input

if __name__ == "__main__":
    import jax
    _d = setup_inputs()
    print(jax.jit(kernel)(*tuple(_d.values())))

</pallas_src>

<mosaic_0001>
module attributes {stable_mosaic.version = 14 : i64} {
  func.func @_onehot_gather_kernel(%arg0: i32, %arg1: memref<3x1000x1000xf32, #tpu.memory_space<vmem>>, %arg2: memref<4x1x256xi32, #tpu.memory_space<vmem>>, %arg3: memref<1x1000xf32, #tpu.memory_space<vmem>>, %arg4: memref<256x4x1000xf32, #tpu.memory_space<vmem>>) attributes {dimension_semantics = [#tpu.dimension_semantics<arbitrary>], iteration_bounds = array<i64: 32>, scalar_prefetch = 0 : i64, scratch_operands = 0 : i64, tpu.core_type = #tpu.core_type<tc>, window_params = [{pipeline_mode = #tpu.pipeline_mode<synchronous>, transform_indices = @transform_0, window_bounds = array<i64: 3, 1000, 1000>}, {transform_indices = @transform_1, window_bounds = array<i64: 4, 1, 256>}, {pipeline_mode = #tpu.pipeline_mode<synchronous>, transform_indices = @transform_2, window_bounds = array<i64: 1, 1000>}, {transform_indices = @transform_3, window_bounds = array<i64: 256, 4, 1000>}]} {
    %get3A = arith.constant 0 : index
    %get3A_0 = arith.constant 0 : index
    %get3A_1 = vector.load %arg3[%get3A, %get3A_0] : memref<1x1000xf32, #tpu.memory_space<vmem>>, vector<1x1000xf32>
    %broadcast_in_dim3A = vector.shape_cast %get3A_1 : vector<1x1000xf32> to vector<1x1000xf32>
    %broadcast_in_dim3A_2 = vector.broadcast %broadcast_in_dim3A : vector<1x1000xf32> to vector<256x1000xf32>
    %swap3A = arith.constant 0 : index
    %swap3A_3 = arith.constant 0 : index
    %swap3A_4 = arith.constant 0 : index
    %swap3A_5 = vector.load %arg4[%swap3A, %swap3A_3, %swap3A_4] : memref<256x4x1000xf32, #tpu.memory_space<vmem>>, vector<256x1x1000xf32>
    %swap3A_6 = vector.shape_cast %swap3A_5 : vector<256x1x1000xf32> to vector<256x1000xf32>
    %swap3A_7 = vector.shape_cast %broadcast_in_dim3A_2 : vector<256x1000xf32> to vector<256x1x1000xf32>
    tpu.vector_store %arg4[%swap3A, %swap3A_3, %swap3A_4], %swap3A_7 {strides = array<i32>} : memref<256x4x1000xf32, #tpu.memory_space<vmem>>, vector<256x1x1000xf32>,
    %iota3A = tpu.iota {dimensions = array<i32: 1>} : vector<256x1000xi32>
    %get3A_8 = arith.constant 1 : index
    %get3A_9 = arith.constant 0 : index
    %get3A_10 = arith.constant 0 : index
    %get3A_11 = vector.load %arg2[%get3A_8, %get3A_9, %get3A_10] : memref<4x1x256xi32, #tpu.memory_space<vmem>>, vector<1x1x256xi32>
    %get3A_12 = vector.shape_cast %get3A_11 : vector<1x1x256xi32> to vector<256xi32>
    %broadcast_in_dim3A_13 = vector.shape_cast %get3A_12 : vector<256xi32> to vector<256x1xi32>
    %eq3A = vector.broadcast %broadcast_in_dim3A_13 : vector<256x1xi32> to vector<256x1000xi32>
    %eq3A_14 = arith.cmpi eq, %iota3A, %eq3A : vector<256x1000xi32>
    %convert_element_type3A = arith.extui %eq3A_14 : vector<256x1000xi1> to vector<256x1000xi32>
    %convert_element_type3A_15 = arith.sitofp %convert_element_type3A : vector<256x1000xi32> to vector<256x1000xf32>
    %get3A_16 = arith.constant 0 : index
    %get3A_17 = arith.constant 0 : index
    %get3A_18 = arith.constant 0 : index
    %get3A_19 = vector.load %arg1[%get3A_16, %get3A_17, %get3A_18] : memref<3x1000x1000xf32, #tpu.memory_space<vmem>>, vector<1x1000x1000xf32>
    %get3A_20 = vector.shape_cast %get3A_19 : vector<1x1000x1000xf32> to vector<1000x1000xf32>
    %dot_general3A = arith.constant dense<0.000000e+00> : vector<256x1000xf32>
    %dot_general3A_21 = tpu.matmul %convert_element_type3A_15, %get3A_20, %dot_general3A {dimension_numbers = #tpu.dot_dimension_numbers<[1], [0], [0], [1], [0, 0, 1, 1], [], []>, transpose_lhs_hint = false} : vector<256x1000xf32>, vector<1000x1000xf32>, vector<256x1000xf32> -> vector<256x1000xf32>
    %swap3A_22 = arith.constant 0 : index
    %swap3A_23 = arith.constant 1 : index
    %swap3A_24 = arith.constant 0 : index
    %swap3A_25 = vector.load %arg4[%swap3A_22, %swap3A_23, %swap3A_24] : memref<256x4x1000xf32, #tpu.memory_space<vmem>>, vector<256x1x1000xf32>
    %swap3A_26 = vector.shape_cast %swap3A_25 : vector<256x1x1000xf32> to vector<256x1000xf32>
    %swap3A_27 = vector.shape_cast %dot_general3A_21 : vector<256x1000xf32> to vector<256x1x1000xf32>
    tpu.vector_store %arg4[%swap3A_22, %swap3A_23, %swap3A_24], %swap3A_27 {strides = array<i32>} : memref<256x4x1000xf32, #tpu.memory_space<vmem>>, vector<256x1x1000xf32>,
    %get3A_28 = arith.constant 2 : index
    %get3A_29 = arith.constant 0 : index
    %get3A_30 = arith.constant 0 : index
    %get3A_31 = vector.load %arg2[%get3A_28, %get3A_29, %get3A_30] : memref<4x1x256xi32, #tpu.memory_space<vmem>>, vector<1x1x256xi32>
    %get3A_32 = vector.shape_cast %get3A_31 : vector<1x1x256xi32> to vector<256xi32>
    %broadcast_in_dim3A_33 = vector.shape_cast %get3A_32 : vector<256xi32> to vector<256x1xi32>
    %eq3A_34 = vector.broadcast %broadcast_in_dim3A_33 : vector<256x1xi32> to vector<256x1000xi32>
    %eq3A_35 = arith.cmpi eq, %iota3A, %eq3A_34 : vector<256x1000xi32>
    %convert_element_type3A_36 = arith.extui %eq3A_35 : vector<256x1000xi1> to vector<256x1000xi32>
    %convert_element_type3A_37 = arith.sitofp %convert_element_type3A_36 : vector<256x1000xi32> to vector<256x1000xf32>
    %get3A_38 = arith.constant 1 : index
    %get3A_39 = arith.constant 0 : index
    %get3A_40 = arith.constant 0 : index
    %get3A_41 = vector.load %arg1[%get3A_38, %get3A_39, %get3A_40] : memref<3x1000x1000xf32, #tpu.memory_space<vmem>>, vector<1x1000x1000xf32>
    %get3A_42 = vector.shape_cast %get3A_41 : vector<1x1000x1000xf32> to vector<1000x1000xf32>
    %dot_general3A_43 = arith.constant dense<0.000000e+00> : vector<256x1000xf32>
    %dot_general3A_44 = tpu.matmul %convert_element_type3A_37, %get3A_42, %dot_general3A_43 {dimension_numbers = #tpu.dot_dimension_numbers<[1], [0], [0], [1], [0, 0, 1, 1], [], []>, transpose_lhs_hint = false} : vector<256x1000xf32>, vector<1000x1000xf32>, vector<256x1000xf32> -> vector<256x1000xf32>
    %swap3A_45 = arith.constant 0 : index
    %swap3A_46 = arith.constant 2 : index
    %swap3A_47 = arith.constant 0 : index
    %swap3A_48 = vector.load %arg4[%swap3A_45, %swap3A_46, %swap3A_47] : memref<256x4x1000xf32, #tpu.memory_space<vmem>>, vector<256x1x1000xf32>
    %swap3A_49 = vector.shape_cast %swap3A_48 : vector<256x1x1000xf32> to vector<256x1000xf32>
    %swap3A_50 = vector.shape_cast %dot_general3A_44 : vector<256x1000xf32> to vector<256x1x1000xf32>
    tpu.vector_store %arg4[%swap3A_45, %swap3A_46, %swap3A_47], %swap3A_50 {strides = array<i32>} : memref<256x4x1000xf32, #tpu.memory_space<vmem>>, vector<256x1x1000xf32>,
    %get3A_51 = arith.constant 3 : index
    %get3A_52 = arith.constant 0 : index
    %get3A_53 = arith.constant 0 : index
    %get3A_54 = vector.load %arg2[%get3A_51, %get3A_52, %get3A_53] : memref<4x1x256xi32, #tpu.memory_space<vmem>>, vector<1x1x256xi32>
    %get3A_55 = vector.shape_cast %get3A_54 : vector<1x1x256xi32> to vector<256xi32>
    %broadcast_in_dim3A_56 = vector.shape_cast %get3A_55 : vector<256xi32> to vector<256x1xi32>
    %eq3A_57 = vector.broadcast %broadcast_in_dim3A_56 : vector<256x1xi32> to vector<256x1000xi32>
    %eq3A_58 = arith.cmpi eq, %iota3A, %eq3A_57 : vector<256x1000xi32>
    %convert_element_type3A_59 = arith.extui %eq3A_58 : vector<256x1000xi1> to vector<256x1000xi32>
    %convert_element_type3A_60 = arith.sitofp %convert_element_type3A_59 : vector<256x1000xi32> to vector<256x1000xf32>
    %get3A_61 = arith.constant 2 : index
    %get3A_62 = arith.constant 0 : index
    %get3A_63 = arith.constant 0 : index
    %get3A_64 = vector.load %arg1[%get3A_61, %get3A_62, %get3A_63] : memref<3x1000x1000xf32, #tpu.memory_space<vmem>>, vector<1x1000x1000xf32>
    %get3A_65 = vector.shape_cast %get3A_64 : vector<1x1000x1000xf32> to vector<1000x1000xf32>
    %dot_general3A_66 = arith.constant dense<0.000000e+00> : vector<256x1000xf32>
    %dot_general3A_67 = tpu.matmul %convert_element_type3A_60, %get3A_65, %dot_general3A_66 {dimension_numbers = #tpu.dot_dimension_numbers<[1], [0], [0], [1], [0, 0, 1, 1], [], []>, transpose_lhs_hint = false} : vector<256x1000xf32>, vector<1000x1000xf32>, vector<256x1000xf32> -> vector<256x1000xf32>
    %swap3A_68 = arith.constant 0 : index
    %swap3A_69 = arith.constant 3 : index
    %swap3A_70 = arith.constant 0 : index
    %swap3A_71 = vector.load %arg4[%swap3A_68, %swap3A_69, %swap3A_70] : memref<256x4x1000xf32, #tpu.memory_space<vmem>>, vector<256x1x1000xf32>
    %swap3A_72 = vector.shape_cast %swap3A_71 : vector<256x1x1000xf32> to vector<256x1000xf32>
    %swap3A_73 = vector.shape_cast %dot_general3A_67 : vector<256x1000xf32> to vector<256x1x1000xf32>
    tpu.vector_store %arg4[%swap3A_68, %swap3A_69, %swap3A_70], %swap3A_73 {strides = array<i32>} : memref<256x4x1000xf32, #tpu.memory_space<vmem>>, vector<256x1x1000xf32>,
    return
  }
  func.func @transform_0(%arg0: i32) -> (i32, i32, i32) {
    %c0_i32 = arith.constant 0 : i32
    %c0_i32_0 = arith.constant 0 : i32
    %c0_i32_1 = arith.constant 0 : i32
    %c0_i32_2 = arith.constant 0 : i32
    return %c0_i32, %c0_i32_0, %c0_i32_1 : i32, i32, i32
  }
  func.func @transform_1(%arg0: i32) -> (i32, i32, i32) {
    %c0_i32 = arith.constant 0 : i32
    %c0_i32_0 = arith.constant 0 : i32
    %c0_i32_1 = arith.constant 0 : i32
    return %c0_i32, %c0_i32_0, %arg0 : i32, i32, i32
  }
  func.func @transform_2(%arg0: i32) -> (i32, i32) {
    %c0_i32 = arith.constant 0 : i32
    %c0_i32_0 = arith.constant 0 : i32
    %c0_i32_1 = arith.constant 0 : i32
    return %c0_i32, %c0_i32_0 : i32, i32
  }
  func.func @transform_3(%arg0: i32) -> (i32, i32, i32) {
    %c0_i32 = arith.constant 0 : i32
    %c0_i32_0 = arith.constant 0 : i32
    %c0_i32_1 = arith.constant 0 : i32
    return %arg0, %c0_i32, %c0_i32_0 : i32, i32, i32
  }
}

</mosaic_0001>

<sc_bundles>
// kernel: sparse-core-data-format-call.cloned.1.call-start
scs
called_computation_lowered:
.L_overlay_start_0:
0x0: {  	s2 =	sld [smem:$0x3FD9]  }
0x1: {  	s3 =	sld [smem:$0x3FFE];
	_ =	sdelay $0x1  }
0x2: {  	s1 =	srdreg.scid  }
0x3: {  	s0 =	sand.u32 $0x1, s1  }
0x4: {  	s18 =	sshll.u32 s0, $0xA;
	s2 =	sadd.s32 s3, s2  }
0x5: {  	s2 =	sadd.s32 s2, s18  }
0x6: {  	[smem:$0x3FC5] =	sst s2  }
0x7: {  	_ = 	snop  }
0x8: {  	s2 =	sld [smem:$0x3FD0];
	(tm) =	ssettm $0x1  }
0x9: {  	s19 =	sld [smem:$0x3FFB];
	_ =	sdelay $0x3  }
0xa: {  	_ =	strace s19  }
0xb: {  	s3 =	sld [smem:$0x3FFC];
	_ =	sdelay $0x3  }
0xc: {  	_ =	strace s3  }
0xd: {  	s3 =	sld [smem:$0x3FFD];
	_ =	sdelay $0x3  }
0xe: {  	_ =	strace s3  }
0xf: {  	_ =	strace $0x8FFFFFFF  }
0x10: {  	s20 =	sld [smem:$0x3FDB];
	_ =	sdelay $0x1  }
0x11: {  	s4 =	simm.s32 $_scs_section_size  }
0x12: {  	s5 =	simm.s32 $_size__tile_overlayer_lowered;
	s6 =	simm.s32 $_tile_overlayer_lowered  }
0x13: {  	s23 =	simm.s32 $0x1BFF;
	s22 =	sshll.u32 s6, $0x1;
	s3 =	sadd.s32 s4, s20  }
0x14: {  	s7 =	simm.s32 $0x0;
	s21 =	sshll.u32 s5, $0x1;
	s5 =	sadd.s32 s22, s3  }
0x15: {  	[timem:s7], [sflag:s23] =	dma.local [hbm:s5], s21  }
0x16: {  	_ =	swait.ge [sflag:s23], s21  }
0x17: {  	s4 =	ssub.s32 $0x0, s21;
	[sflag:s23] =	ssyncset.done $0x0  }
0x18: {  	[sflag:s23] =	ssyncadd.s32 s4;
	_ =	sdelay $0x1  }
0x19: {  	s24 =	simm.s32 $0x1B8B  }
0x1a: {  	_ =	swait.ge [sflag:s24], $0x1  }
0x1b: {  	[sflag:s24] =	ssyncset.done $0x0  }
0x1c: {  	s26 =	simm.s32 $0x1B8E;
	s25 =	sld [smem:$0x3FFE];
	[sflag:s24] =	ssyncadd.s32 $0xFFFFFFFF  }
0x1d: {  	s27 =	simm.s32 $execute0_lowered;
	[smem:$0x3FD2] =	sst s26  }
0x1e: {  	s5 =	sshll.u32 s27, $0x1;
	_ =	strace $0x80000046;
	[dreg:$0x1] =	wrdreg $0xFFFFFFFF  }
0x1f: {  	s28 =	simm.s32 $_size_execute0_lowered;
	s3 =	sadd.s32 s3, s5;
	[dreg:$0x0] =	wrdreg $0x0  }
0x20: {  	s5 =	sshll.u32 s28, $0x1;
	[dreg:$0x2] =	wrdreg s3  }
0x21: {  	[dreg:$0x3] =	wrdreg s5  }
0x22: {  	[dreg:$0x4] =	wrdreg $0xC0  }
0x23: {  	_ =	task [dreg:s7], $0x5FFFF  }
0x24: {  	[dreg:$0x1] =	wrdreg $0xFFFFFFFF  }
0x25: {  	[dreg:$0x0] =	wrdreg $0x60  }
0x26: {  	[dreg:$0x2] =	wrdreg s25  }
0x27: {  	[dreg:$0x3] =	wrdreg s2  }
0x28: {  	[dreg:$0x4] =	wrdreg $0x9  }
0x29: {  	_ =	task.clear_ibuf [dreg:s7], $0x5FFFF;
	_ =	strace $0x90000046  }
0x2a: {  	s29 =	simm.s32 $0x9;
	_ =	strace $0x80000048  }
0x2b: {  	_ =	swait.ge [sflag:s29], $0x1  }
0x2c: {  	[sflag:s29] =	ssyncadd.s32 $0xFFFFFFFF  }
0x2d: {  	_ =	strace $0x90000048  }
0x2e: {  	_ =	sfence  }
0x2f: {  	s30 =	sld [smem:$0x0];
	_ =	sdelay $0x2  }
0x30: {  	s31 =	sshll.u32 s1, $0xD;
	s1 =	sshrl.u32 s1, $0x2  }
0x31: {  	s3 =	sand.u32 $0x4000, s31;
	s1 =	sadd.s32 s1, s30  }
0x32: {  	s0 =	sor.u32 s3, s0;
	s1 =	sshll.u32 s1, $0x11  }
0x33: {  	s0 =	sor.u32 s1, s0  }
0x34: {  	s0 =	sadd.s32 $0x8F2B, s0  }
0x35: {  	[sflag:s0] =	ssyncadd.remote.s32 $0x1  }
0x36: {  	_ =	sfence.sel $0xFFFF  }
0x37: {  	[dreg:$0x0] =	wrdreg $0xFFFFFFFF;
	(pc) =	sbr.abs _section_cstart, $3  }
0x38: {  	[dreg:$0x1] =	wrdreg $0xFFFFFFFF  }
0x39: {  	_ =	task.clear_ibuf [dreg:s7], $0x2FFFF;
	_ =	strace $0x9FFFFFFF  }
0x3a: {  	(tm) =	ssettm $0x7FFFFFFF  }
0x3b: {  	_ =	shalt  }
tec
execute0_lowered:
.L_overlay_start_1:
0x0: {  	(tag) =	ssettag $0x1  }
0x1: {  	s0 =	srdreg.scid  }
0x2: {  	s3 =	rddreg [dreg:$0x0];
	_ =	strace $0x80000047;
	s5 =	simm.s32 $0x1  }
0x3: {  	s7 =	simm.s32 $0x2;
	s18 =	simm.s32 $0x0;
	p0 =	por $0x0, $0x0  }
0x4: {  	s8 =	simm.s32 $0x1000;
	s20 =	simm.s32 $0x0;
	s19 =	simm.s32 $0x0  }
0x5: {  	s21 =	simm.s32 $0x0;
	s9 =	simm.s32 $0x0;
	s0 =	sshll.u32 s0, $0x7  }
0x6: {  	s10 =	simm.s32 $0x0;
	s11 =	simm.s32 $0x0;
	s2 =	sand.u32 $0x80, s0  }
0x7: {  	s12 =	simm.s32 $0x0;
	s13 =	simm.s32 $0x0;
	s6 =	ssub.s32 $0x200, s2  }
.Ltmp0:
0x8: {  	s14 =	simm.s32 $0x0;
	s31 =	sshrl.u32 s6, $0x7;
	(pc) =	sbr.rel .LBB1_1-.Ltmp0, $4  }
0x9: {  	s4 =	sadd.s32 $0xA00, s3;
	s6 =	sshrl.u32 s6, $0x8;
	s3 =	sand.u32 $0x1, s31  }
0xa: {  	s16 =	stileid.u32;
	[sflag:s5] =	ssyncpa.u1 $0x0;
	s6 =	sadd.s32 s6, s3  }
0xb: {  	s17 =	simm.s32 $0x0;
	[sflag:s7] =	ssyncpa.u1 $0x0;
	s6 =	sshll.u32 s6, $0x5  }
0xc: {  	s15 =	smov.u32 s2;
	s3 =	stileid.u32;
	s7 =	sor.u32 $0x1, s6  }
.LBB1_4:
0xd: {  	v5 =	vld [tilespmem:s23+$0xFFFFFFD0]  }
0xe: {  	v58 =	vld [tilespmem:s23+$0xFFFFFFE0]  }
0xf: {  	v59 =	vld [tilespmem:s23+$0xFFFFFFF0]  }
0x10: {  	s27 =	sshll.u32 s9, $0x9;
	s28 =	sshll.u32 s11, $0x3;
	v60 =	vld [tilespmem:s23+$0x0]  }
0x11: {  	s29 =	sshll.u32 s9, $0x7;
	s26 =	sshra.s32 s26, $0x2;
	p1 =	sgt.s32 s12, $0xF;
	v61 =	vld [tilespmem:s23+$0x10]  }
0x12: {  	s31 =	smov.u32 s10;
	s0 =	sshra.s32 s10, $0x1F;
	p3 =	sgt.s32 s9, $0x368;
	v62 =	vld [tilespmem:s23+$0x20]  }
0x13: {  	v63 =	vld [tilespmem:s23+$0xFFFFFFC0];
	s23 =	smul.u32 $0x3E800, s12;
	s27 =	sand.u32 $0xFFFFF000, s27;
	s28 =	sand.u32 $0xFFFFFC00, s28  }
0x14: {  	s30 =	sand.u32 $0x200, s29;
	s25 =	sadd.s32 s26, s25;
	s27 =	sadd.s32 s28, s27  }
0x15: {  	s0 =	sand.u32 s0, s10;
	s27 =	sor.u32 s30, s27;
	s30 =	sshra.s32 s12, $0x1F  }
0x16: {  	s26 =	sshrl.u32 s27, $0x9;
	s27 =	smov.u32 s12;
	s30 =	sand.u32 s30, s12  }
0x17: {  	s28 =	smulhi.u32 $0x83126F, s26;
	s27 =	simm.s32 @!p1 $0xF;
	p1 =	sgt.s32 s10, $0x3  }
0x18: {  	s27 =	ssub.s32 s27, s30;
	s31 =	simm.s32 @!p1 $0x3;
	p1 =	sgt.s32 s11, $0x180  }
0x19: {  	s30 =	smov.u32 s11;
	s0 =	ssub.s32 s31, s0;
	s31 =	sshra.s32 s11, $0x1F  }
0x1a: {  	s1 =	sadd.s32 $0xFFFFFFF1, s27;
	s30 =	simm.s32 @!p1 $0x180;
	s27 =	ssub.s32 $0x10, s27  }
0x1b: {  	s31 =	sand.u32 s31, s11;
	p2 =	sgt.s32 s1, $0x0;
	s1 =	sadd.s32 $0xFFFFFFFD, s0  }
0x1c: {  	s30 =	ssub.s32 s30, s31;
	p1 =	sgt.s32 s1, $0x0;
	s1 =	smov.u32 s9  }
0x1d: {  	[tilespmem:s24+$0x2040 ss:$0x81] =	vst.msk $0xffff, v4;
	s0 =	ssub.s32 $0x4, s0;
	s31 =	sadd.s32 $0xFFFFFE80, s30;
	s1 =	simm.s32 @!p3 $0x368  }
0x1e: {  	[tilespmem:s24+$0x2850 ss:$0x81] =	vst.msk $0xffff, v3;
	s30 =	ssub.s32 $0x200, s30;
	p3 =	sgt.s32 s31, $0x7F;
	s31 =	sshra.s32 s9, $0x1F  }
0x1f: {  	[tilespmem:s24+$0x3060 ss:$0x81] =	vst.msk $0xffff, v2;
	s27 =	simm.s32 @p2 $0x0;
	s31 =	sand.u32 s31, s9;
	s30 =	simm.s32 @p3 $0x0  }
0x20: {  	[tilespmem:s24+$0x0 ss:$0x81] =	vst.msk $0xffff, v1;
	s1 =	ssub.s32 s1, s31;
	s31 =	sshrl.u32 s28, $0x1;
	s27 =	smul.u32 s27, s30  }
0x21: {  	s29 =	sand.u32 $0x180, s29;
	[tilespmem:s25+$0x3870 ss:$0x81] =	vst.msk $0xffff, v0;
	s0 =	simm.s32 @p1 $0x0;
	s24 =	smul.u32 $0x3E8, s31  }
0x22: {  	[tilespmem:s25+$0x810 ss:$0x81] =	vst.msk $0xffff, v5;
	s30 =	sand.u32 $0x78, s11;
	s31 =	sadd.s32 $0xFFFFFC98, s1;
	s0 =	smul.u32 s0, s27  }
0x23: {  	[tilespmem:s25+$0x1020 ss:$0x81] =	vst.msk $0xffff, v58;
	s1 =	ssub.s32 $0x3E8, s1;
	p1 =	sgt.s32 s31, $0x7F;
	s31 =	smul.u32 $0xFA00, s10  }
0x24: {  	[tilespmem:s25+$0x1830 ss:$0x81] =	vst.msk $0xffff, v59;
	s1 =	simm.s32 @p1 $0x0;
	s24 =	ssub.s32 s26, s24;
	s26 =	rddreg [dreg:$0x1]  }
0x25: {  	[tilespmem:s25+$0x2040 ss:$0x81] =	vst.msk $0xffff, v60;
	s30 =	sor.u32 s30, s29;
	s0 =	smul.u32 s1, s0;
	s1 =	sadd.s32 s26, s23  }
0x26: {  	[tilespmem:s25+$0x2850 ss:$0x81] =	vst.msk $0xffff, v61;
	s29 =	sshrl.u32 s30, $0x3;
	s30 =	sand.u32 $0x7, s11;
	s1 =	sadd.s32 s31, s1  }
0x27: {  	[tilespmem:s25+$0x3060 ss:$0x81] =	vst.msk $0xffff, v62;
	s24 =	sshll.u32 s24, $0x6;
	s31 =	sshll.u32 s30, $0x12;
	s1 =	sadd.s32 s29, s1  }
0x28: {  	[tilespmem:s25+$0x0 ss:$0x81] =	vst.msk $0xffff, v63;
	s0 =	sand.u32 $0x3FFFFFFF, s0;
	s23 =	sor.u32 $0x400, s31;
	s1 =	sadd.s32 s24, s1  }
0x29: {  	[hbm4b:s1+s23] =	stream.strided.scatter [tilespmem:s22], [sflag:$0x2], s0, s8, s23, $0x20;
	[tilespmem:$0x10100] =	vst v63  }
.LBB1_5:
0x2a: {  	p1 =	slt.u32 s17, $0x2;
	s0 =	smov.u32 s21  }
0x2b: {  	s22 =	sadd.s32 $0x80, s13;
	s23 =	smov.u32 s15;
	s24 =	smov.u32 s16  }
0x2c: {  	p0 =	por !p0, !p0;
	p2 =	sgt.s32 @!p1 s21, $0xF;
	s1 =	sshra.s32 @!p1 s21, $0x1F  }
0x2d: {  	p3 =	sgt.s32 @!p1 s19, $0x180;
	p2 =	por !p2, p1;
	s1 =	sand.u32 @!p1 s1, s21  }
0x2e: {  	s21 =	sshra.s32 @!p1 s20, $0x1F;
	s0 =	simm.s32 @p2 $0xF;
	p2 =	sgt.s32 @!p1 s20, $0x3  }
0x2f: {  	p3 =	por !p3, p1;
	s0 =	ssub.s32 @!p1 s0, s1;
	p2 =	por !p2, p1  }
0x30: {  	s1 =	smov.u32 s20;
	s20 =	sand.u32 @!p1 s21, s20;
	s21 =	sadd.s32 @!p1 $0xFFFFFFF1, s0  }
0x31: {  	s1 =	simm.s32 @p2 $0x3;
	s0 =	ssub.s32 @!p1 $0x10, s0;
	p2 =	sgt.s32 @!p1 s21, $0x0  }
0x32: {  	s1 =	ssub.s32 @!p1 s1, s20;
	s21 =	sshra.s32 @!p1 s19, $0x1F;
	p2 =	por !p2, p1  }
0x33: {  	s20 =	sadd.s32 @!p1 $0xFFFFFFFD, s1;
	s1 =	ssub.s32 @!p1 $0x4, s1;
	s0 =	simm.s32 @!p2 $0x0  }
0x34: {  	p2 =	sgt.s32 @!p1 s20, $0x0;
	s20 =	smov.u32 s19;
	s19 =	sand.u32 @!p1 s21, s19  }
0x35: {  	s21 =	sshra.s32 @!p1 s18, $0x1F;
	s20 =	simm.s32 @p3 $0x180;
	p3 =	sgt.s32 @!p1 s18, $0x368  }
0x36: {  	p2 =	por !p2, p1;
	s19 =	ssub.s32 @!p1 s20, s19;
	p3 =	por !p3, p1  }
0x37: {  	s20 =	smov.u32 s18;
	s18 =	sand.u32 @!p1 s21, s18;
	s21 =	sadd.s32 @!p1 $0xFFFFFE80, s19  }
0x38: {  	s1 =	simm.s32 @!p2 $0x0;
	s20 =	simm.s32 @p3 $0x368;
	p2 =	sgt.s32 @!p1 s21, $0x7F  }
0x39: {  	s19 =	ssub.s32 @!p1 $0x200, s19;
	s18 =	ssub.s32 @!p1 s20, s18;
	p2 =	por !p2, p1  }
0x3a: {  	s25 =	simm.s32 @!p1 $0x2;
	s20 =	sadd.s32 @!p1 $0xFFFFFC98, s18;
	s19 =	simm.s32 @!p2 $0x0  }
0x3b: {  	p2 =	sgt.s32 s22, $0x3E7;
	s0 =	smul.u32 @!p1 s0, s19;
	s19 =	simm.s32 $0x1  }
0x3c: {  	s18 =	ssub.s32 @!p1 $0x3E8, s18;
	p3 =	sgt.s32 @!p1 s20, $0x7F;
	s19 =	simm.s32 @!p2 $0x0  }
0x3d: {  	p3 =	por !p3, p1;
	s0 =	smul.u32 @!p1 s1, s0;
	s1 =	sadd.s32 s19, s14  }
0x3e: {  	s18 =	simm.s32 @!p3 $0x0;
	s19 =	sadd.s32 $0x100, s15;
	p3 =	sgt.s32 s1, $0x3  }
0x3f: {  	s21 =	smov.u32 s12;
	s22 =	simm.s32 @p2 $0x0;
	s23 =	smov.u32 @p3 s19  }
0x40: {  	s0 =	smul.u32 @!p1 s18, s0;
	s18 =	sadd.s32 $0x10, s16;
	p2 =	sgt.s32 s23, $0x1FF  }
0x41: {  	s12 =	smov.u32 s16;
	s20 =	smov.u32 s10;
	s24 =	smov.u32 @p2 s18  }
0x42: {  	s10 =	smov.u32 s14;
	s23 =	smov.u32 @p2 s2;
	p2 =	sgt.s32 s24, $0xF  }
0x43: {  	s1 =	simm.s32 @p3 $0x0;
	s24 =	smov.u32 @p2 s3;
	p2 =	sne.s32 s17, s7  }
.Ltmp1:
0x44: {  	s19 =	smov.u32 s11;
	s11 =	smov.u32 s15;
	(pc) =	sbr.rel @!p2 .LBB1_6-.Ltmp1, $4  }
0x45: {  	s14 =	smov.u32 s1;
	s0 =	sand.u32 @!p1 $0x3FFFFFFF, s0;
	s18 =	smov.u32 s9  }
0x46: {  	s9 =	smov.u32 s13;
	s13 =	smov.u32 s22;
	_ =	swait.ge @!p1 [sflag:s25], s0  }
0x47: {  	s0 =	ssub.s32 @!p1 $0x0, s0;
	s15 =	smov.u32 s23;
	[sflag:s25] =	ssyncset.done @!p1 $0x0  }
0x48: {  	s17 =	sadd.s32 $0x1, s17;
	[sflag:s25] =	ssyncadd.s32 @!p1 s0;
	s16 =	smov.u32 s24  }
.LBB1_1:
0x49: {  	p1 =	sge.u32 s17, s6  }
0x4a: {  	s31 =	sadd.s32 $0xFFFFFFFF, s17;
	s22 =	sxor.u32 @!p1 $0xFFFFFFFF, s17;
	s23 =	sshll.u32 @!p1 s14, $0x7  }
0x4b: {  	s24 =	sand.u32 @!p1 $0x78, s13;
	s25 =	sshll.u32 @!p1 s13, $0x2;
	s26 =	sshrl.u32 @!p1 s13, $0x1  }
0x4c: {  	s23 =	sand.u32 @!p1 $0x180, s23;
	s22 =	sshll.u32 @!p1 s22, $0xE;
	s25 =	sand.u32 @!p1 $0x200, s25  }
0x4d: {  	s26 =	sand.u32 @!p1 $0x180, s26;
	s23 =	sor.u32 @!p1 s23, s24;
	s24 =	sshll.u32 @!p1 s16, $0x12  }
0x4e: {  	s23 =	sor.u32 @!p1 s25, s23;
	s25 =	sshll.u32 @!p1 s15, $0x9;
	s24 =	sadd.s32 @!p1 s4, s24  }
0x4f: {  	s22 =	sand.u32 @!p1 $0x4000, s22;
	s24 =	sadd.s32 @!p1 s25, s24;
	s25 =	sand.u32 @!p1 $0x7, s13  }
0x50: {  	s23 =	sshrl.u32 @!p1 s23, $0x3;
	s24 =	sadd.s32 @!p1 s26, s24;
	s25 =	sshll.u32 @!p1 s25, $0x12  }
0x51: {  	s23 =	sadd.s32 @!p1 s23, s24;
	s24 =	sor.u32 @!p1 $0x80, s25;
	s25 =	simm.s32 @!p1 $0x1000  }
0x52: {  	[tilespmem:s22], [sflag:$0x1] =	stream.strided.gather @!p1 [hbm4b:s23+s24], $0x4000, s25, s24, $0x38;
	[tilespmem:$0x10100] =	vst v63  }
0x53: {  	p1 =	sge.u32 s31, s6  }
.Ltmp2:
0x54: {  	_ = 	snop;
	(pc) =	sbr.rel @p1 .LBB1_5-.Ltmp2, $1  }
0x55: {  	_ =	sdelay $0x3  }
0x56: {  	s22 =	simm.s32 $0x1  }
0x57: {  	_ =	swait.ge [sflag:s5], $0x4000;
	s22 =	simm.s32 @!p0 $0x0  }
0x58: {  	[sflag:s5] =	ssyncset.done $0x0;
	s23 =	sshll.u32 s22, $0xE  }
0x59: {  	[sflag:s5] =	ssyncadd.s32 $0xFFFFC000;
	s23 =	sor.u32 $0x40, s23  }
0x5a: {  	s22 =	smul.u32 $0x10200, s22;
	v0 =	vld [tilespmem:s23+$0x30]  }
0x5b: {  	v1 =	vld [tilespmem:s23+$0xFFFFFFD0]  }
0x5c: {  	s22 =	sshrl.u32 s22, $0x2;
	v5 =	vld [tilespmem:s23+$0xFFFFFFE0]  }
0x5d: {  	v6 =	vld [tilespmem:s23+$0xFFFFFFF0];
	s25 =	sor.u32 $0x8000, s22  }
0x5e: {  	s31 =	sand.u32 $0x1, s17;
	v4 =	vld [tilespmem:s23+$0x0];
	s24 =	sadd.s32 $0x0, s25  }
0x5f: {  	v3 =	vld [tilespmem:s23+$0x10];
	s22 =	smul.u32 $0x10200, s31;
	[tilespmem:s24+$0x3870 ss:$0x81] =	vst.msk $0xffff, v0  }
0x60: {  	v2 =	vld [tilespmem:s23+$0x20];
	[tilespmem:s24+$0x810 ss:$0x81] =	vst.msk $0xffff, v1  }
0x61: {  	s22 =	sshrl.u32 s22, $0x2;
	v1 =	vld [tilespmem:s23+$0xFFFFFFC0];
	[tilespmem:s24+$0x1020 ss:$0x81] =	vst.msk $0xffff, v5;
	s23 =	sadd.s32 $0x80, s23  }
0x62: {  	s26 =	simm.s32 $0x4;
	s27 =	simm.s32 $0x8;
	s22 =	sor.u32 $0x8000, s22;
	[tilespmem:s24+$0x1830 ss:$0x81] =	vst.msk $0xffff, v6;
	v0 =	vld [tilespmem:s23+$0x30]  }
.LBB1_3:
0x63: {  	p1 =	sne.s32 s27, $0x1FC;
	v5 =	vld [tilespmem:s23+$0xFFFFFFD0];
	[tilespmem:s24+$0x2040 ss:$0x81] =	vst.msk $0xffff, v4  }
0x64: {  	v6 =	vld [tilespmem:s23+$0xFFFFFFE0];
	[tilespmem:s24+$0x2850 ss:$0x81] =	vst.msk $0xffff, v3  }
0x65: {  	s28 =	sshra.s32 s26, $0x2;
	s26 =	smov.u32 s27;
	v7 =	vld [tilespmem:s23+$0xFFFFFFF0];
	[tilespmem:s24+$0x3060 ss:$0x81] =	vst.msk $0xffff, v2  }
.Ltmp3:
0x66: {  	v4 =	vld [tilespmem:s23+$0x0];
	[tilespmem:s24+$0x0 ss:$0x81] =	vst.msk $0xffff, v1;
	s24 =	sadd.s32 s28, s25;
	(pc) =	sbr.rel @p1 .LBB1_3-.Ltmp3, $4  }
0x67: {  	v3 =	vld [tilespmem:s23+$0x10];
	[tilespmem:s24+$0x3870 ss:$0x81] =	vst.msk $0xffff, v0  }
0x68: {  	[tilespmem:s24+$0x810 ss:$0x81] =	vst.msk $0xffff, v5;
	v2 =	vld [tilespmem:s23+$0x20]  }
0x69: {  	v1 =	vld [tilespmem:s23+$0xFFFFFFC0];
	[tilespmem:s24+$0x1020 ss:$0x81] =	vst.msk $0xffff, v6;
	s23 =	sadd.s32 $0x80, s23  }
0x6a: {  	s27 =	sadd.s32 $0x4, s27;
	v0 =	vld [tilespmem:s23+$0x30];
	[tilespmem:s24+$0x1830 ss:$0x81] =	vst.msk $0xffff, v7  }
.Ltmp4:
0x6b: {  	_ = 	snop;
	(pc) =	sbr.rel .LBB1_4-.Ltmp4, $1  }
0x6c: {  	_ =	sdelay $0x3  }
.LBB1_6:
0x6d: {  	_ =	sfence.sel $0x180000  }
0x6e: {  	s0 =	simm.s32 $0x1;
	[bflag:$0x0] =	sbarrier.arrive $0xFFFF  }
0x6f: {  	s31 =	simm.s32 $0x2;
	[sflag:s0] =	ssyncpa.u1 $0x1  }
0x70: {  	[sflag:s31] =	ssyncpa.u1 $0x1  }
0x71: {  	_ =	strace $0x90000047  }
0x72: {  	[bflag:$0x2] =	sbarrier.arrive $0xFFFF  }
0x73: {  	p0 =	sne.s32 s3, $0x0;
	s0 =	rddreg [dreg:$0x2]  }
0x74: {  	s0 =	sadd.s32 @!p0 $0x100000, s0  }
0x75: {  	[sflag:s0] =	ssyncadd.tile.s32 @!p0 $0x1;
	_ =	shalt  }
.Lfunc_end1:
_tile_overlayer_lowered:
.L_overlay_start_2:
0x76: {  	(tag) =	ssettag $0x2  }
0x77: {  	s0 =	rddreg [dreg:$0x0];
	s2 =	stileid.u32  }
0x78: {  	s1 =	rddreg [dreg:$0x1];
	p0 =	sne.s32 s2, $0x0  }
0x79: {  	s3 =	rddreg [dreg:$0x2];
	[bflag:$0x3] =	sbarrier.arrive $0xFFFF;
	s2 =	simm.s32 @!p0 $0x1C01  }
0x7a: {  	[timem:s3], [sflag:s2] =	dma.local @!p0 [hbm:s0], s1  }
0x7b: {  	s0 =	simm.s32 @!p0 $0x1  }
0x7c: {  	_ =	swait.ge @!p0 [sflag:s0], s1  }
0x7d: {  	s1 =	ssub.s32 @!p0 $0x0, s1;
	[sflag:s0] =	ssyncset.done @!p0 $0x0  }
0x7e: {  	[sflag:s0] =	ssyncadd.s32 @!p0 s1  }
0x7f: {  	[bflag:$0x3] =	sbarrier.arrive $0xFFFF  }
0x80: {  	_ =	shalt  }

</sc_bundles>
